<compile_context>
chip_gen: v7x
topology: tpu7x:2x2x1
jax: 0.10.2.dev20260603
libtpu: 0.0.44.dev20260713+nightly
codegen_flags: <defaults>
</compile_context>

<pallas_src>
import functools

import jax
import jax.numpy as jnp
from jax import lax
from jax.experimental import pallas as pl
from jax.experimental.pallas import tpu as pltpu
from jax.experimental.pallas import tpu_sc as plsc

DIM = 32
B_TOTAL = 16384 * 50
NUM_WORKERS = 32
B_PER_W = B_TOTAL // NUM_WORKERS
CHUNK = 1280
N_CHUNKS = B_PER_W // CHUNK
N_STREAMS = 4
SUB = CHUNK // N_STREAMS


def _emb_body(w_hbm, idx_hbm, out_hbm,
              idx0, idx1, rows0, rows1,
              s_i0, s_i1, s_g0, s_g1, s_o0, s_o1):
    idx_v = [idx0, idx1]
    rows_v = [rows0, rows1]
    s_i = [s_i0, s_i1]
    s_g = [s_g0, s_g1]
    s_o = [s_o0, s_o1]

    wid = lax.axis_index("s") * 2 + lax.axis_index("c")
    base = wid * B_PER_W

    def idx_copy(chunk, b):
        return pltpu.make_async_copy(
            idx_hbm.at[pl.ds(base + chunk * CHUNK, CHUNK)], idx_v[b], s_i[b])

    def _gather_descs(b):
        return [pltpu.make_async_copy(
                    w_hbm.at[idx_v[b].at[pl.ds(j * SUB, SUB)]],
                    rows_v[b].at[pl.ds(j * SUB, SUB)], s_g[b])
                for j in range(N_STREAMS)]

    class gather:
        def __init__(self, b):
            self.b = b

        def start(self):
            for d in _gather_descs(self.b):
                d.start()

        def wait(self):
            for d in _gather_descs(self.b):
                d.wait()

    def writeback(chunk, b):
        return pltpu.make_async_copy(
            rows_v[b],
            out_hbm.at[pl.ds(base + chunk * CHUNK, CHUNK), pl.ds(0, DIM)],
            s_o[b])

    idx_copy(0, 0).start()
    idx_copy(1, 1).start()
    idx_copy(0, 0).wait()
    gather(0).start()

    def outer(g, carry):
        idx_copy(g + 1, 1).wait()

        @pl.when(g >= 1)
        def _():
            writeback(g - 1, 1).wait()

        gather(1).start()
        gather(0).wait()
        writeback(g, 0).start()

        @pl.when(g < N_CHUNKS - 2)
        def _():
            idx_copy(g + 2, 0).start()

        @pl.when(g < N_CHUNKS - 2)
        def _():
            idx_copy(g + 2, 0).wait()
            writeback(g, 0).wait()
            gather(0).start()

        gather(1).wait()
        writeback(g + 1, 1).start()

        @pl.when(g < N_CHUNKS - 2)
        def _():
            idx_copy(g + 3, 1).start()

        return carry

    lax.fori_loop(0, N_CHUNKS // 2, lambda j, c: outer(j * 2, c), 0,
                  unroll=False)

    writeback(N_CHUNKS - 2, 0).wait()
    writeback(N_CHUNKS - 1, 1).wait()


@jax.jit
def _embed(W, idx_flat):
    mesh = plsc.VectorSubcoreMesh(core_axis_name="c", subcore_axis_name="s")
    f = functools.partial(
        pl.kernel,
        mesh=mesh,
        out_type=jax.ShapeDtypeStruct((B_TOTAL, 128), jnp.float32),
        scratch_types=[
            pltpu.VMEM((CHUNK,), jnp.int32),
            pltpu.VMEM((CHUNK,), jnp.int32),
            pltpu.VMEM((CHUNK, DIM), jnp.float32),
            pltpu.VMEM((CHUNK, DIM), jnp.float32),
            pltpu.SemaphoreType.DMA,
            pltpu.SemaphoreType.DMA,
            pltpu.SemaphoreType.DMA,
            pltpu.SemaphoreType.DMA,
            pltpu.SemaphoreType.DMA,
            pltpu.SemaphoreType.DMA,
        ],
        compiler_params=pltpu.CompilerParams(use_tc_tiling_on_sc=False),
    )(_emb_body)
    return f(W, idx_flat)


def _tr_body(x_ref, o_ref):
    o_ref[0] = jnp.transpose(x_ref[0][:, 0:DIM], (1, 0))


_BT = 4096


def _transpose_tc(x3):
    n_s, n_t, _ = x3.shape
    return pl.pallas_call(
        _tr_body,
        grid=(n_s, n_t // _BT),
        in_specs=[pl.BlockSpec((1, _BT, 128), lambda s, j: (s, j, 0))],
        out_specs=pl.BlockSpec((1, DIM, _BT), lambda s, j: (s, 0, j)),
        out_shape=jax.ShapeDtypeStruct((n_s, DIM, n_t), jnp.float32),
    )(x3)


def kernel(token_ids, W):
    n_t, n_s = token_ids.shape
    idx_s = jnp.transpose(token_ids).reshape(-1).astype(jnp.int32)
    x = _embed(W, idx_s)
    y = _transpose_tc(x.reshape(n_s, n_t, 128))
    return jnp.transpose(y, (2, 0, 1))

# --- scband reference (transcript-rebuilt; emitter-appended) ---
"""Pipeline reference for scband-embedding-31911607009938 (READ-ONLY COPY).

The authoritative reference and input builder live on the scoring server;
editing this copy changes nothing except your own understanding.
"""

import jax, jax.numpy as jnp
import numpy as np

NUM_EMBEDDINGS = 1000000
EMBEDDING_DIM = 32

def setup_inputs(seed: int = 0) -> dict:
    key = jax.random.key(seed)
    k1, k2 = jax.random.split(key)
    token_ids = jax.random.randint(k1, (16384, 50), 0, NUM_EMBEDDINGS, dtype=jnp.int64 if jax.config.jax_enable_x64 else jnp.int32)
    W = jax.random.normal(k2, (NUM_EMBEDDINGS, EMBEDDING_DIM), dtype=jnp.float32) * 0.02
    return {"token_ids": token_ids, "W": W}

def reference(token_ids, W):
    # Faithful translation of: return self.W[token_ids]
    return jnp.take(W, token_ids, axis=0)

if __name__ == "__main__":
    import jax
    _d = setup_inputs()
    print(jax.jit(kernel)(*tuple(_d.values())))

</pallas_src>

<mosaic_0001>
#map = affine_map<(d0, d1) -> (0, 0)>
#map1 = affine_map<(d0, d1) -> (0)>
module attributes {stable_mosaic.version = 14 : i64} {
  func.func @_emb_body(%arg0: i32, %arg1: i32, %arg2: memref<1000000x32xf32, #tpu.memory_space<hbm>>, %arg3: memref<819200xi32, #tpu.memory_space<hbm>>, %arg4: memref<819200x128xf32, #tpu.memory_space<hbm>>, %arg5: memref<1280xi32, #tpu.memory_space<vmem>>, %arg6: memref<1280xi32, #tpu.memory_space<vmem>>, %arg7: memref<1280x32xf32, #tpu.memory_space<vmem>>, %arg8: memref<1280x32xf32, #tpu.memory_space<vmem>>, %arg9: memref<!tpu.dma_semaphore, #tpu.memory_space<semaphore_mem>>, %arg10: memref<!tpu.dma_semaphore, #tpu.memory_space<semaphore_mem>>, %arg11: memref<!tpu.dma_semaphore, #tpu.memory_space<semaphore_mem>>, %arg12: memref<!tpu.dma_semaphore, #tpu.memory_space<semaphore_mem>>, %arg13: memref<!tpu.dma_semaphore, #tpu.memory_space<semaphore_mem>>, %arg14: memref<!tpu.dma_semaphore, #tpu.memory_space<semaphore_mem>>) attributes {dimension_semantics = [#tpu.dimension_semantics<core_parallel>, #tpu.dimension_semantics<subcore_parallel>], iteration_bounds = array<i64: 2, 16>, scalar_prefetch = 0 : i64, scratch_operands = 10 : i64, tpu.core_type = #tpu.core_type<sc_vector_subcore>, window_params = [{transform_indices = #map}, {transform_indices = #map1}, {transform_indices = #map}]} {
    %mul3A = arith.constant 2 : i32
    %mul3A_0 = arith.muli %arg1, %mul3A : i32
    %add3A = arith.addi %mul3A_0, %arg0 : i32
    %mul3A_1 = arith.constant 25600 : i32
    %mul3A_2 = arith.muli %add3A, %mul3A_1 : i32
    %add3A_3 = arith.constant 0 : i32
    %add3A_4 = arith.addi %mul3A_2, %add3A_3 : i32
    %dma_start3A = tpu.memref_slice %arg3[%add3A_4] : memref<819200xi32, #tpu.memory_space<hbm>> -> memref<1280xi32, #tpu.memory_space<hbm>>
    %dma_start3A_5 = tpu.memref_slice %arg3[%add3A_4] : memref<819200xi32, #tpu.memory_space<hbm>> -> memref<1280xi32, #tpu.memory_space<hbm>>
    tpu.enqueue_dma source(%dma_start3A_5 : memref<1280xi32, #tpu.memory_space<hbm>>) target(%arg5 : memref<1280xi32, #tpu.memory_space<vmem>>) target_semaphore(%arg9 : memref<!tpu.dma_semaphore, #tpu.memory_space<semaphore_mem>>)
    %add3A_6 = arith.constant 1280 : i32
    %add3A_7 = arith.addi %mul3A_2, %add3A_6 : i32
    %dma_start3A_8 = tpu.memref_slice %arg3[%add3A_7] : memref<819200xi32, #tpu.memory_space<hbm>> -> memref<1280xi32, #tpu.memory_space<hbm>>
    %dma_start3A_9 = tpu.memref_slice %arg3[%add3A_7] : memref<819200xi32, #tpu.memory_space<hbm>> -> memref<1280xi32, #tpu.memory_space<hbm>>
    tpu.enqueue_dma source(%dma_start3A_9 : memref<1280xi32, #tpu.memory_space<hbm>>) target(%arg6 : memref<1280xi32, #tpu.memory_space<vmem>>) target_semaphore(%arg10 : memref<!tpu.dma_semaphore, #tpu.memory_space<semaphore_mem>>)
    %add3A_10 = arith.constant 0 : i32
    %add3A_11 = arith.addi %mul3A_2, %add3A_10 : i32
    %dma_wait3A = tpu.memref_slice %arg3[%add3A_11] : memref<819200xi32, #tpu.memory_space<hbm>> -> memref<1280xi32, #tpu.memory_space<hbm>>
    %dma_wait3A_12 = tpu.memref_slice %arg3[%add3A_11] : memref<819200xi32, #tpu.memory_space<hbm>> -> memref<1280xi32, #tpu.memory_space<hbm>>
    tpu.wait_dma2 semaphore(%arg9 : memref<!tpu.dma_semaphore, #tpu.memory_space<semaphore_mem>>) src(%dma_wait3A_12 : memref<1280xi32, #tpu.memory_space<hbm>>) dst(%arg5 : memref<1280xi32, #tpu.memory_space<vmem>>)
    %dma_start3A_13 = arith.constant 0 : i32
    %dma_start3A_14 = arith.constant 0 : i32
    %dma_start3A_15 = tpu.memref_slice %arg7[%dma_start3A_13, %dma_start3A_14] : memref<1280x32xf32, #tpu.memory_space<vmem>> -> memref<320x32xf32, #tpu.memory_space<vmem>>
    %dma_start3A_16 = arith.constant 0 : i32
    %dma_start3A_17 = tpu.memref_slice %arg5[%dma_start3A_16] : memref<1280xi32, #tpu.memory_space<vmem>> -> memref<320xi32, #tpu.memory_space<vmem>>
    %dma_start3A_18 = arith.constant 0 : i32
    %dma_start3A_19 = arith.constant 0 : i32
    %dma_start3A_20 = tpu.memref_slice %arg2[%dma_start3A_18, %dma_start3A_19] : memref<1000000x32xf32, #tpu.memory_space<hbm>> -> memref<1000000x32xf32, #tpu.memory_space<hbm>>
    tpu.enqueue_indirect_dma source(%dma_start3A_20 : memref<1000000x32xf32, #tpu.memory_space<hbm>>) target(%dma_start3A_15 : memref<320x32xf32, #tpu.memory_space<vmem>>) offsets(%dma_start3A_17 : memref<320xi32, #tpu.memory_space<vmem>>) semaphore(%arg11 : memref<!tpu.dma_semaphore, #tpu.memory_space<semaphore_mem>>)
    %dma_start3A_21 = arith.constant 320 : i32
    %dma_start3A_22 = arith.constant 0 : i32
    %dma_start3A_23 = tpu.memref_slice %arg7[%dma_start3A_21, %dma_start3A_22] : memref<1280x32xf32, #tpu.memory_space<vmem>> -> memref<320x32xf32, #tpu.memory_space<vmem>>
    %dma_start3A_24 = arith.constant 320 : i32
    %dma_start3A_25 = tpu.memref_slice %arg5[%dma_start3A_24] : memref<1280xi32, #tpu.memory_space<vmem>> -> memref<320xi32, #tpu.memory_space<vmem>>
    %dma_start3A_26 = arith.constant 0 : i32
    %dma_start3A_27 = arith.constant 0 : i32
    %dma_start3A_28 = tpu.memref_slice %arg2[%dma_start3A_26, %dma_start3A_27] : memref<1000000x32xf32, #tpu.memory_space<hbm>> -> memref<1000000x32xf32, #tpu.memory_space<hbm>>
    tpu.enqueue_indirect_dma source(%dma_start3A_28 : memref<1000000x32xf32, #tpu.memory_space<hbm>>) target(%dma_start3A_23 : memref<320x32xf32, #tpu.memory_space<vmem>>) offsets(%dma_start3A_25 : memref<320xi32, #tpu.memory_space<vmem>>) semaphore(%arg11 : memref<!tpu.dma_semaphore, #tpu.memory_space<semaphore_mem>>)
    %dma_start3A_29 = arith.constant 640 : i32
    %dma_start3A_30 = arith.constant 0 : i32
    %dma_start3A_31 = tpu.memref_slice %arg7[%dma_start3A_29, %dma_start3A_30] : memref<1280x32xf32, #tpu.memory_space<vmem>> -> memref<320x32xf32, #tpu.memory_space<vmem>>
    %dma_start3A_32 = arith.constant 640 : i32
    %dma_start3A_33 = tpu.memref_slice %arg5[%dma_start3A_32] : memref<1280xi32, #tpu.memory_space<vmem>> -> memref<320xi32, #tpu.memory_space<vmem>>
    %dma_start3A_34 = arith.constant 0 : i32
    %dma_start3A_35 = arith.constant 0 : i32
    %dma_start3A_36 = tpu.memref_slice %arg2[%dma_start3A_34, %dma_start3A_35] : memref<1000000x32xf32, #tpu.memory_space<hbm>> -> memref<1000000x32xf32, #tpu.memory_space<hbm>>
    tpu.enqueue_indirect_dma source(%dma_start3A_36 : memref<1000000x32xf32, #tpu.memory_space<hbm>>) target(%dma_start3A_31 : memref<320x32xf32, #tpu.memory_space<vmem>>) offsets(%dma_start3A_33 : memref<320xi32, #tpu.memory_space<vmem>>) semaphore(%arg11 : memref<!tpu.dma_semaphore, #tpu.memory_space<semaphore_mem>>)
    %dma_start3A_37 = arith.constant 960 : i32
    %dma_start3A_38 = arith.constant 0 : i32
    %dma_start3A_39 = tpu.memref_slice %arg7[%dma_start3A_37, %dma_start3A_38] : memref<1280x32xf32, #tpu.memory_space<vmem>> -> memref<320x32xf32, #tpu.memory_space<vmem>>
    %dma_start3A_40 = arith.constant 960 : i32
    %dma_start3A_41 = tpu.memref_slice %arg5[%dma_start3A_40] : memref<1280xi32, #tpu.memory_space<vmem>> -> memref<320xi32, #tpu.memory_space<vmem>>
    %dma_start3A_42 = arith.constant 0 : i32
    %dma_start3A_43 = arith.constant 0 : i32
    %dma_start3A_44 = tpu.memref_slice %arg2[%dma_start3A_42, %dma_start3A_43] : memref<1000000x32xf32, #tpu.memory_space<hbm>> -> memref<1000000x32xf32, #tpu.memory_space<hbm>>
    tpu.enqueue_indirect_dma source(%dma_start3A_44 : memref<1000000x32xf32, #tpu.memory_space<hbm>>) target(%dma_start3A_39 : memref<320x32xf32, #tpu.memory_space<vmem>>) offsets(%dma_start3A_41 : memref<320xi32, #tpu.memory_space<vmem>>) semaphore(%arg11 : memref<!tpu.dma_semaphore, #tpu.memory_space<semaphore_mem>>)
    %scan3A = arith.constant 0 : i32
    %scan3A_45 = arith.constant 0 : i32
    %scan3A_46 = arith.constant 10 : i32
    %scan3A_47 = arith.addi %scan3A_45, %scan3A_46 : i32
    %scan3A_48 = arith.constant 1 : i32
    scf.for %scan3A_62 = %scan3A_45 to %scan3A_47 step %scan3A_48  : i32 {
      %mul3A_63 = arith.constant 2 : i32
      %mul3A_64 = arith.muli %scan3A_62, %mul3A_63 : i32
      %add3A_65 = arith.constant 1 : i32
      %add3A_66 = arith.addi %mul3A_64, %add3A_65 : i32
      %mul3A_67 = arith.constant 1280 : i32
      %mul3A_68 = arith.muli %add3A_66, %mul3A_67 : i32
      %add3A_69 = arith.addi %mul3A_2, %mul3A_68 : i32
      %dma_wait3A_70 = tpu.memref_slice %arg3[%add3A_69] : memref<819200xi32, #tpu.memory_space<hbm>> -> memref<1280xi32, #tpu.memory_space<hbm>>
      %dma_wait3A_71 = tpu.memref_slice %arg3[%add3A_69] : memref<819200xi32, #tpu.memory_space<hbm>> -> memref<1280xi32, #tpu.memory_space<hbm>>
      tpu.wait_dma2 semaphore(%arg10 : memref<!tpu.dma_semaphore, #tpu.memory_space<semaphore_mem>>) src(%dma_wait3A_71 : memref<1280xi32, #tpu.memory_space<hbm>>) dst(%arg6 : memref<1280xi32, #tpu.memory_space<vmem>>)
      %ge3A = arith.constant 1 : i32
      %ge3A_72 = arith.cmpi sge, %mul3A_64, %ge3A : i32
      %convert_element_type3A = arith.extui %ge3A_72 : i1 to i32
      %cond3A = arith.constant 0 : i32
      %cond3A_73 = arith.cmpi ne, %convert_element_type3A, %cond3A : i32
      scf.if %cond3A_73 {
        %sub3A = arith.constant 1 : i32
        %sub3A_200 = arith.subi %mul3A_64, %sub3A : i32
        %mul3A_201 = arith.constant 1280 : i32
        %mul3A_202 = arith.muli %sub3A_200, %mul3A_201 : i32
        %add3A_203 = arith.addi %mul3A_2, %mul3A_202 : i32
        %dma_wait3A_204 = arith.constant 0 : i32
        %dma_wait3A_205 = tpu.memref_slice %arg4[%add3A_203, %dma_wait3A_204] : memref<819200x128xf32, #tpu.memory_space<hbm>> -> memref<1280x32xf32, #tpu.memory_space<hbm>>
        %dma_wait3A_206 = arith.constant 0 : i32
        %dma_wait3A_207 = tpu.memref_slice %arg4[%add3A_203, %dma_wait3A_206] : memref<819200x128xf32, #tpu.memory_space<hbm>> -> memref<1280x32xf32, #tpu.memory_space<hbm>>
        tpu.wait_dma2 semaphore(%arg14 : memref<!tpu.dma_semaphore, #tpu.memory_space<semaphore_mem>>) src(%arg8 : memref<1280x32xf32, #tpu.memory_space<vmem>>) dst(%dma_wait3A_207 : memref<1280x32xf32, #tpu.memory_space<hbm>>)
      } else {
      }
      %dma_start3A_74 = arith.constant 0 : i32
      %dma_start3A_75 = arith.constant 0 : i32
      %dma_start3A_76 = tpu.memref_slice %arg8[%dma_start3A_74, %dma_start3A_75] : memref<1280x32xf32, #tpu.memory_space<vmem>> -> memref<320x32xf32, #tpu.memory_space<vmem>>
      %dma_start3A_77 = arith.constant 0 : i32
      %dma_start3A_78 = tpu.memref_slice %arg6[%dma_start3A_77] : memref<1280xi32, #tpu.memory_space<vmem>> -> memref<320xi32, #tpu.memory_space<vmem>>
      %dma_start3A_79 = arith.constant 0 : i32
      %dma_start3A_80 = arith.constant 0 : i32
      %dma_start3A_81 = tpu.memref_slice %arg2[%dma_start3A_79, %dma_start3A_80] : memref<1000000x32xf32, #tpu.memory_space<hbm>> -> memref<1000000x32xf32, #tpu.memory_space<hbm>>
      tpu.enqueue_indirect_dma source(%dma_start3A_81 : memref<1000000x32xf32, #tpu.memory_space<hbm>>) target(%dma_start3A_76 : memref<320x32xf32, #tpu.memory_space<vmem>>) offsets(%dma_start3A_78 : memref<320xi32, #tpu.memory_space<vmem>>) semaphore(%arg12 : memref<!tpu.dma_semaphore, #tpu.memory_space<semaphore_mem>>)
      %dma_start3A_82 = arith.constant 320 : i32
      %dma_start3A_83 = arith.constant 0 : i32
      %dma_start3A_84 = tpu.memref_slice %arg8[%dma_start3A_82, %dma_start3A_83] : memref<1280x32xf32, #tpu.memory_space<vmem>> -> memref<320x32xf32, #tpu.memory_space<vmem>>
      %dma_start3A_85 = arith.constant 320 : i32
      %dma_start3A_86 = tpu.memref_slice %arg6[%dma_start3A_85] : memref<1280xi32, #tpu.memory_space<vmem>> -> memref<320xi32, #tpu.memory_space<vmem>>
      %dma_start3A_87 = arith.constant 0 : i32
      %dma_start3A_88 = arith.constant 0 : i32
      %dma_start3A_89 = tpu.memref_slice %arg2[%dma_start3A_87, %dma_start3A_88] : memref<1000000x32xf32, #tpu.memory_space<hbm>> -> memref<1000000x32xf32, #tpu.memory_space<hbm>>
      tpu.enqueue_indirect_dma source(%dma_start3A_89 : memref<1000000x32xf32, #tpu.memory_space<hbm>>) target(%dma_start3A_84 : memref<320x32xf32, #tpu.memory_space<vmem>>) offsets(%dma_start3A_86 : memref<320xi32, #tpu.memory_space<vmem>>) semaphore(%arg12 : memref<!tpu.dma_semaphore, #tpu.memory_space<semaphore_mem>>)
      %dma_start3A_90 = arith.constant 640 : i32
      %dma_start3A_91 = arith.constant 0 : i32
      %dma_start3A_92 = tpu.memref_slice %arg8[%dma_start3A_90, %dma_start3A_91] : memref<1280x32xf32, #tpu.memory_space<vmem>> -> memref<320x32xf32, #tpu.memory_space<vmem>>
      %dma_start3A_93 = arith.constant 640 : i32
      %dma_start3A_94 = tpu.memref_slice %arg6[%dma_start3A_93] : memref<1280xi32, #tpu.memory_space<vmem>> -> memref<320xi32, #tpu.memory_space<vmem>>
      %dma_start3A_95 = arith.constant 0 : i32
      %dma_start3A_96 = arith.constant 0 : i32
      %dma_start3A_97 = tpu.memref_slice %arg2[%dma_start3A_95, %dma_start3A_96] : memref<1000000x32xf32, #tpu.memory_space<hbm>> -> memref<1000000x32xf32, #tpu.memory_space<hbm>>
      tpu.enqueue_indirect_dma source(%dma_start3A_97 : memref<1000000x32xf32, #tpu.memory_space<hbm>>) target(%dma_start3A_92 : memref<320x32xf32, #tpu.memory_space<vmem>>) offsets(%dma_start3A_94 : memref<320xi32, #tpu.memory_space<vmem>>) semaphore(%arg12 : memref<!tpu.dma_semaphore, #tpu.memory_space<semaphore_mem>>)
      %dma_start3A_98 = arith.constant 960 : i32
      %dma_start3A_99 = arith.constant 0 : i32
      %dma_start3A_100 = tpu.memref_slice %arg8[%dma_start3A_98, %dma_start3A_99] : memref<1280x32xf32, #tpu.memory_space<vmem>> -> memref<320x32xf32, #tpu.memory_space<vmem>>
      %dma_start3A_101 = arith.constant 960 : i32
      %dma_start3A_102 = tpu.memref_slice %arg6[%dma_start3A_101] : memref<1280xi32, #tpu.memory_space<vmem>> -> memref<320xi32, #tpu.memory_space<vmem>>
      %dma_start3A_103 = arith.constant 0 : i32
      %dma_start3A_104 = arith.constant 0 : i32
      %dma_start3A_105 = tpu.memref_slice %arg2[%dma_start3A_103, %dma_start3A_104] : memref<1000000x32xf32, #tpu.memory_space<hbm>> -> memref<1000000x32xf32, #tpu.memory_space<hbm>>
      tpu.enqueue_indirect_dma source(%dma_start3A_105 : memref<1000000x32xf32, #tpu.memory_space<hbm>>) target(%dma_start3A_100 : memref<320x32xf32, #tpu.memory_space<vmem>>) offsets(%dma_start3A_102 : memref<320xi32, #tpu.memory_space<vmem>>) semaphore(%arg12 : memref<!tpu.dma_semaphore, #tpu.memory_space<semaphore_mem>>)
      %dma_wait3A_106 = arith.constant 0 : i32
      %dma_wait3A_107 = arith.constant 0 : i32
      %dma_wait3A_108 = tpu.memref_slice %arg7[%dma_wait3A_106, %dma_wait3A_107] : memref<1280x32xf32, #tpu.memory_space<vmem>> -> memref<320x32xf32, #tpu.memory_space<vmem>>
      %dma_wait3A_109 = arith.constant 0 : i32
      %dma_wait3A_110 = tpu.memref_slice %arg5[%dma_wait3A_109] : memref<1280xi32, #tpu.memory_space<vmem>> -> memref<320xi32, #tpu.memory_space<vmem>>
      %dma_wait3A_111 = arith.constant 0 : i32
      %dma_wait3A_112 = arith.constant 0 : i32
      %dma_wait3A_113 = tpu.memref_slice %arg2[%dma_wait3A_111, %dma_wait3A_112] : memref<1000000x32xf32, #tpu.memory_space<hbm>> -> memref<1000000x32xf32, #tpu.memory_space<hbm>>
      tpu.wait_indirect_dma semaphore(%arg11 : memref<!tpu.dma_semaphore, #tpu.memory_space<semaphore_mem>>) src(%dma_wait3A_113 : memref<1000000x32xf32, #tpu.memory_space<hbm>>) dst(%dma_wait3A_108 : memref<320x32xf32, #tpu.memory_space<vmem>>)
      %dma_wait3A_114 = arith.constant 320 : i32
      %dma_wait3A_115 = arith.constant 0 : i32
      %dma_wait3A_116 = tpu.memref_slice %arg7[%dma_wait3A_114, %dma_wait3A_115] : memref<1280x32xf32, #tpu.memory_space<vmem>> -> memref<320x32xf32, #tpu.memory_space<vmem>>
      %dma_wait3A_117 = arith.constant 320 : i32
      %dma_wait3A_118 = tpu.memref_slice %arg5[%dma_wait3A_117] : memref<1280xi32, #tpu.memory_space<vmem>> -> memref<320xi32, #tpu.memory_space<vmem>>
      %dma_wait3A_119 = arith.constant 0 : i32
      %dma_wait3A_120 = arith.constant 0 : i32
      %dma_wait3A_121 = tpu.memref_slice %arg2[%dma_wait3A_119, %dma_wait3A_120] : memref<1000000x32xf32, #tpu.memory_space<hbm>> -> memref<1000000x32xf32, #tpu.memory_space<hbm>>
      tpu.wait_indirect_dma semaphore(%arg11 : memref<!tpu.dma_semaphore, #tpu.memory_space<semaphore_mem>>) src(%dma_wait3A_121 : memref<1000000x32xf32, #tpu.memory_space<hbm>>) dst(%dma_wait3A_116 : memref<320x32xf32, #tpu.memory_space<vmem>>)
      %dma_wait3A_122 = arith.constant 640 : i32
      %dma_wait3A_123 = arith.constant 0 : i32
      %dma_wait3A_124 = tpu.memref_slice %arg7[%dma_wait3A_122, %dma_wait3A_123] : memref<1280x32xf32, #tpu.memory_space<vmem>> -> memref<320x32xf32, #tpu.memory_space<vmem>>
      %dma_wait3A_125 = arith.constant 640 : i32
      %dma_wait3A_126 = tpu.memref_slice %arg5[%dma_wait3A_125] : memref<1280xi32, #tpu.memory_space<vmem>> -> memref<320xi32, #tpu.memory_space<vmem>>
      %dma_wait3A_127 = arith.constant 0 : i32
      %dma_wait3A_128 = arith.constant 0 : i32
      %dma_wait3A_129 = tpu.memref_slice %arg2[%dma_wait3A_127, %dma_wait3A_128] : memref<1000000x32xf32, #tpu.memory_space<hbm>> -> memref<1000000x32xf32, #tpu.memory_space<hbm>>
      tpu.wait_indirect_dma semaphore(%arg11 : memref<!tpu.dma_semaphore, #tpu.memory_space<semaphore_mem>>) src(%dma_wait3A_129 : memref<1000000x32xf32, #tpu.memory_space<hbm>>) dst(%dma_wait3A_124 : memref<320x32xf32, #tpu.memory_space<vmem>>)
      %dma_wait3A_130 = arith.constant 960 : i32
      %dma_wait3A_131 = arith.constant 0 : i32
      %dma_wait3A_132 = tpu.memref_slice %arg7[%dma_wait3A_130, %dma_wait3A_131] : memref<1280x32xf32, #tpu.memory_space<vmem>> -> memref<320x32xf32, #tpu.memory_space<vmem>>
      %dma_wait3A_133 = arith.constant 960 : i32
      %dma_wait3A_134 = tpu.memref_slice %arg5[%dma_wait3A_133] : memref<1280xi32, #tpu.memory_space<vmem>> -> memref<320xi32, #tpu.memory_space<vmem>>
      %dma_wait3A_135 = arith.constant 0 : i32
      %dma_wait3A_136 = arith.constant 0 : i32
      %dma_wait3A_137 = tpu.memref_slice %arg2[%dma_wait3A_135, %dma_wait3A_136] : memref<1000000x32xf32, #tpu.memory_space<hbm>> -> memref<1000000x32xf32, #tpu.memory_space<hbm>>
      tpu.wait_indirect_dma semaphore(%arg11 : memref<!tpu.dma_semaphore, #tpu.memory_space<semaphore_mem>>) src(%dma_wait3A_137 : memref<1000000x32xf32, #tpu.memory_space<hbm>>) dst(%dma_wait3A_132 : memref<320x32xf32, #tpu.memory_space<vmem>>)
      %mul3A_138 = arith.constant 1280 : i32
      %mul3A_139 = arith.muli %mul3A_64, %mul3A_138 : i32
      %add3A_140 = arith.addi %mul3A_2, %mul3A_139 : i32
      %dma_start3A_141 = arith.constant 0 : i32
      %dma_start3A_142 = tpu.memref_slice %arg4[%add3A_140, %dma_start3A_141] : memref<819200x128xf32, #tpu.memory_space<hbm>> -> memref<1280x32xf32, #tpu.memory_space<hbm>>
      %dma_start3A_143 = arith.constant 0 : i32
      %dma_start3A_144 = tpu.memref_slice %arg4[%add3A_140, %dma_start3A_143] : memref<819200x128xf32, #tpu.memory_space<hbm>> -> memref<1280x32xf32, #tpu.memory_space<hbm>>
      tpu.enqueue_dma source(%arg7 : memref<1280x32xf32, #tpu.memory_space<vmem>>) target(%dma_start3A_144 : memref<1280x32xf32, #tpu.memory_space<hbm>>) target_semaphore(%arg13 : memref<!tpu.dma_semaphore, #tpu.memory_space<semaphore_mem>>)
      %lt3A = arith.constant 18 : i32
      %lt3A_145 = arith.cmpi slt, %mul3A_64, %lt3A : i32
      %convert_element_type3A_146 = arith.extui %lt3A_145 : i1 to i32
      %cond3A_147 = arith.constant 0 : i32
      %cond3A_148 = arith.cmpi ne, %convert_element_type3A_146, %cond3A_147 : i32
      scf.if %cond3A_148 {
        %add3A_200 = arith.constant 2 : i32
        %add3A_201 = arith.addi %mul3A_64, %add3A_200 : i32
        %mul3A_202 = arith.constant 1280 : i32
        %mul3A_203 = arith.muli %add3A_201, %mul3A_202 : i32
        %add3A_204 = arith.addi %mul3A_2, %mul3A_203 : i32
        %dma_start3A_205 = tpu.memref_slice %arg3[%add3A_204] : memref<819200xi32, #tpu.memory_space<hbm>> -> memref<1280xi32, #tpu.memory_space<hbm>>
        %dma_start3A_206 = tpu.memref_slice %arg3[%add3A_204] : memref<819200xi32, #tpu.memory_space<hbm>> -> memref<1280xi32, #tpu.memory_space<hbm>>
        tpu.enqueue_dma source(%dma_start3A_206 : memref<1280xi32, #tpu.memory_space<hbm>>) target(%arg5 : memref<1280xi32, #tpu.memory_space<vmem>>) target_semaphore(%arg9 : memref<!tpu.dma_semaphore, #tpu.memory_space<semaphore_mem>>)
      } else {
      }
      %lt3A_149 = arith.constant 18 : i32
      %lt3A_150 = arith.cmpi slt, %mul3A_64, %lt3A_149 : i32
      %convert_element_type3A_151 = arith.extui %lt3A_150 : i1 to i32
      %cond3A_152 = arith.constant 0 : i32
      %cond3A_153 = arith.cmpi ne, %convert_element_type3A_151, %cond3A_152 : i32
      scf.if %cond3A_153 {
        %add3A_200 = arith.constant 2 : i32
        %add3A_201 = arith.addi %mul3A_64, %add3A_200 : i32
        %mul3A_202 = arith.constant 1280 : i32
        %mul3A_203 = arith.muli %add3A_201, %mul3A_202 : i32
        %add3A_204 = arith.addi %mul3A_2, %mul3A_203 : i32
        %dma_wait3A_205 = tpu.memref_slice %arg3[%add3A_204] : memref<819200xi32, #tpu.memory_space<hbm>> -> memref<1280xi32, #tpu.memory_space<hbm>>
        %dma_wait3A_206 = tpu.memref_slice %arg3[%add3A_204] : memref<819200xi32, #tpu.memory_space<hbm>> -> memref<1280xi32, #tpu.memory_space<hbm>>
        tpu.wait_dma2 semaphore(%arg9 : memref<!tpu.dma_semaphore, #tpu.memory_space<semaphore_mem>>) src(%dma_wait3A_206 : memref<1280xi32, #tpu.memory_space<hbm>>) dst(%arg5 : memref<1280xi32, #tpu.memory_space<vmem>>)
        %mul3A_207 = arith.constant 1280 : i32
        %mul3A_208 = arith.muli %mul3A_64, %mul3A_207 : i32
        %add3A_209 = arith.addi %mul3A_2, %mul3A_208 : i32
        %dma_wait3A_210 = arith.constant 0 : i32
        %dma_wait3A_211 = tpu.memref_slice %arg4[%add3A_209, %dma_wait3A_210] : memref<819200x128xf32, #tpu.memory_space<hbm>> -> memref<1280x32xf32, #tpu.memory_space<hbm>>
        %dma_wait3A_212 = arith.constant 0 : i32
        %dma_wait3A_213 = tpu.memref_slice %arg4[%add3A_209, %dma_wait3A_212] : memref<819200x128xf32, #tpu.memory_space<hbm>> -> memref<1280x32xf32, #tpu.memory_space<hbm>>
        tpu.wait_dma2 semaphore(%arg13 : memref<!tpu.dma_semaphore, #tpu.memory_space<semaphore_mem>>) src(%arg7 : memref<1280x32xf32, #tpu.memory_space<vmem>>) dst(%dma_wait3A_213 : memref<1280x32xf32, #tpu.memory_space<hbm>>)
        %dma_start3A_214 = arith.constant 0 : i32
        %dma_start3A_215 = arith.constant 0 : i32
        %dma_start3A_216 = tpu.memref_slice %arg7[%dma_start3A_214, %dma_start3A_215] : memref<1280x32xf32, #tpu.memory_space<vmem>> -> memref<320x32xf32, #tpu.memory_space<vmem>>
        %dma_start3A_217 = arith.constant 0 : i32
        %dma_start3A_218 = tpu.memref_slice %arg5[%dma_start3A_217] : memref<1280xi32, #tpu.memory_space<vmem>> -> memref<320xi32, #tpu.memory_space<vmem>>
        %dma_start3A_219 = arith.constant 0 : i32
        %dma_start3A_220 = arith.constant 0 : i32
        %dma_start3A_221 = tpu.memref_slice %arg2[%dma_start3A_219, %dma_start3A_220] : memref<1000000x32xf32, #tpu.memory_space<hbm>> -> memref<1000000x32xf32, #tpu.memory_space<hbm>>
        tpu.enqueue_indirect_dma source(%dma_start3A_221 : memref<1000000x32xf32, #tpu.memory_space<hbm>>) target(%dma_start3A_216 : memref<320x32xf32, #tpu.memory_space<vmem>>) offsets(%dma_start3A_218 : memref<320xi32, #tpu.memory_space<vmem>>) semaphore(%arg11 : memref<!tpu.dma_semaphore, #tpu.memory_space<semaphore_mem>>)
        %dma_start3A_222 = arith.constant 320 : i32
        %dma_start3A_223 = arith.constant 0 : i32
        %dma_start3A_224 = tpu.memref_slice %arg7[%dma_start3A_222, %dma_start3A_223] : memref<1280x32xf32, #tpu.memory_space<vmem>> -> memref<320x32xf32, #tpu.memory_space<vmem>>
        %dma_start3A_225 = arith.constant 320 : i32
        %dma_start3A_226 = tpu.memref_slice %arg5[%dma_start3A_225] : memref<1280xi32, #tpu.memory_space<vmem>> -> memref<320xi32, #tpu.memory_space<vmem>>
        %dma_start3A_227 = arith.constant 0 : i32
        %dma_start3A_228 = arith.constant 0 : i32
        %dma_start3A_229 = tpu.memref_slice %arg2[%dma_start3A_227, %dma_start3A_228] : memref<1000000x32xf32, #tpu.memory_space<hbm>> -> memref<1000000x32xf32, #tpu.memory_space<hbm>>
        tpu.enqueue_indirect_dma source(%dma_start3A_229 : memref<1000000x32xf32, #tpu.memory_space<hbm>>) target(%dma_start3A_224 : memref<320x32xf32, #tpu.memory_space<vmem>>) offsets(%dma_start3A_226 : memref<320xi32, #tpu.memory_space<vmem>>) semaphore(%arg11 : memref<!tpu.dma_semaphore, #tpu.memory_space<semaphore_mem>>)
        %dma_start3A_230 = arith.constant 640 : i32
        %dma_start3A_231 = arith.constant 0 : i32
        %dma_start3A_232 = tpu.memref_slice %arg7[%dma_start3A_230, %dma_start3A_231] : memref<1280x32xf32, #tpu.memory_space<vmem>> -> memref<320x32xf32, #tpu.memory_space<vmem>>
        %dma_start3A_233 = arith.constant 640 : i32
        %dma_start3A_234 = tpu.memref_slice %arg5[%dma_start3A_233] : memref<1280xi32, #tpu.memory_space<vmem>> -> memref<320xi32, #tpu.memory_space<vmem>>
        %dma_start3A_235 = arith.constant 0 : i32
        %dma_start3A_236 = arith.constant 0 : i32
        %dma_start3A_237 = tpu.memref_slice %arg2[%dma_start3A_235, %dma_start3A_236] : memref<1000000x32xf32, #tpu.memory_space<hbm>> -> memref<1000000x32xf32, #tpu.memory_space<hbm>>
        tpu.enqueue_indirect_dma source(%dma_start3A_237 : memref<1000000x32xf32, #tpu.memory_space<hbm>>) target(%dma_start3A_232 : memref<320x32xf32, #tpu.memory_space<vmem>>) offsets(%dma_start3A_234 : memref<320xi32, #tpu.memory_space<vmem>>) semaphore(%arg11 : memref<!tpu.dma_semaphore, #tpu.memory_space<semaphore_mem>>)
        %dma_start3A_238 = arith.constant 960 : i32
        %dma_start3A_239 = arith.constant 0 : i32
        %dma_start3A_240 = tpu.memref_slice %arg7[%dma_start3A_238, %dma_start3A_239] : memref<1280x32xf32, #tpu.memory_space<vmem>> -> memref<320x32xf32, #tpu.memory_space<vmem>>
        %dma_start3A_241 = arith.constant 960 : i32
        %dma_start3A_242 = tpu.memref_slice %arg5[%dma_start3A_241] : memref<1280xi32, #tpu.memory_space<vmem>> -> memref<320xi32, #tpu.memory_space<vmem>>
        %dma_start3A_243 = arith.constant 0 : i32
        %dma_start3A_244 = arith.constant 0 : i32
        %dma_start3A_245 = tpu.memref_slice %arg2[%dma_start3A_243, %dma_start3A_244] : memref<1000000x32xf32, #tpu.memory_space<hbm>> -> memref<1000000x32xf32, #tpu.memory_space<hbm>>
        tpu.enqueue_indirect_dma source(%dma_start3A_245 : memref<1000000x32xf32, #tpu.memory_space<hbm>>) target(%dma_start3A_240 : memref<320x32xf32, #tpu.memory_space<vmem>>) offsets(%dma_start3A_242 : memref<320xi32, #tpu.memory_space<vmem>>) semaphore(%arg11 : memref<!tpu.dma_semaphore, #tpu.memory_space<semaphore_mem>>)
      } else {
      }
      %dma_wait3A_154 = arith.constant 0 : i32
      %dma_wait3A_155 = arith.constant 0 : i32
      %dma_wait3A_156 = tpu.memref_slice %arg8[%dma_wait3A_154, %dma_wait3A_155] : memref<1280x32xf32, #tpu.memory_space<vmem>> -> memref<320x32xf32, #tpu.memory_space<vmem>>
      %dma_wait3A_157 = arith.constant 0 : i32
      %dma_wait3A_158 = tpu.memref_slice %arg6[%dma_wait3A_157] : memref<1280xi32, #tpu.memory_space<vmem>> -> memref<320xi32, #tpu.memory_space<vmem>>
      %dma_wait3A_159 = arith.constant 0 : i32
      %dma_wait3A_160 = arith.constant 0 : i32
      %dma_wait3A_161 = tpu.memref_slice %arg2[%dma_wait3A_159, %dma_wait3A_160] : memref<1000000x32xf32, #tpu.memory_space<hbm>> -> memref<1000000x32xf32, #tpu.memory_space<hbm>>
      tpu.wait_indirect_dma semaphore(%arg12 : memref<!tpu.dma_semaphore, #tpu.memory_space<semaphore_mem>>) src(%dma_wait3A_161 : memref<1000000x32xf32, #tpu.memory_space<hbm>>) dst(%dma_wait3A_156 : memref<320x32xf32, #tpu.memory_space<vmem>>)
      %dma_wait3A_162 = arith.constant 320 : i32
      %dma_wait3A_163 = arith.constant 0 : i32
      %dma_wait3A_164 = tpu.memref_slice %arg8[%dma_wait3A_162, %dma_wait3A_163] : memref<1280x32xf32, #tpu.memory_space<vmem>> -> memref<320x32xf32, #tpu.memory_space<vmem>>
      %dma_wait3A_165 = arith.constant 320 : i32
      %dma_wait3A_166 = tpu.memref_slice %arg6[%dma_wait3A_165] : memref<1280xi32, #tpu.memory_space<vmem>> -> memref<320xi32, #tpu.memory_space<vmem>>
      %dma_wait3A_167 = arith.constant 0 : i32
      %dma_wait3A_168 = arith.constant 0 : i32
      %dma_wait3A_169 = tpu.memref_slice %arg2[%dma_wait3A_167, %dma_wait3A_168] : memref<1000000x32xf32, #tpu.memory_space<hbm>> -> memref<1000000x32xf32, #tpu.memory_space<hbm>>
      tpu.wait_indirect_dma semaphore(%arg12 : memref<!tpu.dma_semaphore, #tpu.memory_space<semaphore_mem>>) src(%dma_wait3A_169 : memref<1000000x32xf32, #tpu.memory_space<hbm>>) dst(%dma_wait3A_164 : memref<320x32xf32, #tpu.memory_space<vmem>>)
      %dma_wait3A_170 = arith.constant 640 : i32
      %dma_wait3A_171 = arith.constant 0 : i32
      %dma_wait3A_172 = tpu.memref_slice %arg8[%dma_wait3A_170, %dma_wait3A_171] : memref<1280x32xf32, #tpu.memory_space<vmem>> -> memref<320x32xf32, #tpu.memory_space<vmem>>
      %dma_wait3A_173 = arith.constant 640 : i32
      %dma_wait3A_174 = tpu.memref_slice %arg6[%dma_wait3A_173] : memref<1280xi32, #tpu.memory_space<vmem>> -> memref<320xi32, #tpu.memory_space<vmem>>
      %dma_wait3A_175 = arith.constant 0 : i32
      %dma_wait3A_176 = arith.constant 0 : i32
      %dma_wait3A_177 = tpu.memref_slice %arg2[%dma_wait3A_175, %dma_wait3A_176] : memref<1000000x32xf32, #tpu.memory_space<hbm>> -> memref<1000000x32xf32, #tpu.memory_space<hbm>>
      tpu.wait_indirect_dma semaphore(%arg12 : memref<!tpu.dma_semaphore, #tpu.memory_space<semaphore_mem>>) src(%dma_wait3A_177 : memref<1000000x32xf32, #tpu.memory_space<hbm>>) dst(%dma_wait3A_172 : memref<320x32xf32, #tpu.memory_space<vmem>>)
      %dma_wait3A_178 = arith.constant 960 : i32
      %dma_wait3A_179 = arith.constant 0 : i32
      %dma_wait3A_180 = tpu.memref_slice %arg8[%dma_wait3A_178, %dma_wait3A_179] : memref<1280x32xf32, #tpu.memory_space<vmem>> -> memref<320x32xf32, #tpu.memory_space<vmem>>
      %dma_wait3A_181 = arith.constant 960 : i32
      %dma_wait3A_182 = tpu.memref_slice %arg6[%dma_wait3A_181] : memref<1280xi32, #tpu.memory_space<vmem>> -> memref<320xi32, #tpu.memory_space<vmem>>
      %dma_wait3A_183 = arith.constant 0 : i32
      %dma_wait3A_184 = arith.constant 0 : i32
      %dma_wait3A_185 = tpu.memref_slice %arg2[%dma_wait3A_183, %dma_wait3A_184] : memref<1000000x32xf32, #tpu.memory_space<hbm>> -> memref<1000000x32xf32, #tpu.memory_space<hbm>>
      tpu.wait_indirect_dma semaphore(%arg12 : memref<!tpu.dma_semaphore, #tpu.memory_space<semaphore_mem>>) src(%dma_wait3A_185 : memref<1000000x32xf32, #tpu.memory_space<hbm>>) dst(%dma_wait3A_180 : memref<320x32xf32, #tpu.memory_space<vmem>>)
      %add3A_186 = arith.constant 1 : i32
      %add3A_187 = arith.addi %mul3A_64, %add3A_186 : i32
      %mul3A_188 = arith.constant 1280 : i32
      %mul3A_189 = arith.muli %add3A_187, %mul3A_188 : i32
      %add3A_190 = arith.addi %mul3A_2, %mul3A_189 : i32
      %dma_start3A_191 = arith.constant 0 : i32
      %dma_start3A_192 = tpu.memref_slice %arg4[%add3A_190, %dma_start3A_191] : memref<819200x128xf32, #tpu.memory_space<hbm>> -> memref<1280x32xf32, #tpu.memory_space<hbm>>
      %dma_start3A_193 = arith.constant 0 : i32
      %dma_start3A_194 = tpu.memref_slice %arg4[%add3A_190, %dma_start3A_193] : memref<819200x128xf32, #tpu.memory_space<hbm>> -> memref<1280x32xf32, #tpu.memory_space<hbm>>
      tpu.enqueue_dma source(%arg8 : memref<1280x32xf32, #tpu.memory_space<vmem>>) target(%dma_start3A_194 : memref<1280x32xf32, #tpu.memory_space<hbm>>) target_semaphore(%arg14 : memref<!tpu.dma_semaphore, #tpu.memory_space<semaphore_mem>>)
      %lt3A_195 = arith.constant 18 : i32
      %lt3A_196 = arith.cmpi slt, %mul3A_64, %lt3A_195 : i32
      %convert_element_type3A_197 = arith.extui %lt3A_196 : i1 to i32
      %cond3A_198 = arith.constant 0 : i32
      %cond3A_199 = arith.cmpi ne, %convert_element_type3A_197, %cond3A_198 : i32
      scf.if %cond3A_199 {
        %add3A_200 = arith.constant 3 : i32
        %add3A_201 = arith.addi %mul3A_64, %add3A_200 : i32
        %mul3A_202 = arith.constant 1280 : i32
        %mul3A_203 = arith.muli %add3A_201, %mul3A_202 : i32
        %add3A_204 = arith.addi %mul3A_2, %mul3A_203 : i32
        %dma_start3A_205 = tpu.memref_slice %arg3[%add3A_204] : memref<819200xi32, #tpu.memory_space<hbm>> -> memref<1280xi32, #tpu.memory_space<hbm>>
        %dma_start3A_206 = tpu.memref_slice %arg3[%add3A_204] : memref<819200xi32, #tpu.memory_space<hbm>> -> memref<1280xi32, #tpu.memory_space<hbm>>
        tpu.enqueue_dma source(%dma_start3A_206 : memref<1280xi32, #tpu.memory_space<hbm>>) target(%arg6 : memref<1280xi32, #tpu.memory_space<vmem>>) target_semaphore(%arg10 : memref<!tpu.dma_semaphore, #tpu.memory_space<semaphore_mem>>)
      } else {
      }
    }
    %scan3A_49 = arith.constant 10 : i32
    %add3A_50 = arith.constant 23040 : i32
    %add3A_51 = arith.addi %mul3A_2, %add3A_50 : i32
    %dma_wait3A_52 = arith.constant 0 : i32
    %dma_wait3A_53 = tpu.memref_slice %arg4[%add3A_51, %dma_wait3A_52] : memref<819200x128xf32, #tpu.memory_space<hbm>> -> memref<1280x32xf32, #tpu.memory_space<hbm>>
    %dma_wait3A_54 = arith.constant 0 : i32
    %dma_wait3A_55 = tpu.memref_slice %arg4[%add3A_51, %dma_wait3A_54] : memref<819200x128xf32, #tpu.memory_space<hbm>> -> memref<1280x32xf32, #tpu.memory_space<hbm>>
    tpu.wait_dma2 semaphore(%arg13 : memref<!tpu.dma_semaphore, #tpu.memory_space<semaphore_mem>>) src(%arg7 : memref<1280x32xf32, #tpu.memory_space<vmem>>) dst(%dma_wait3A_55 : memref<1280x32xf32, #tpu.memory_space<hbm>>)
    %add3A_56 = arith.constant 24320 : i32
    %add3A_57 = arith.addi %mul3A_2, %add3A_56 : i32
    %dma_wait3A_58 = arith.constant 0 : i32
    %dma_wait3A_59 = tpu.memref_slice %arg4[%add3A_57, %dma_wait3A_58] : memref<819200x128xf32, #tpu.memory_space<hbm>> -> memref<1280x32xf32, #tpu.memory_space<hbm>>
    %dma_wait3A_60 = arith.constant 0 : i32
    %dma_wait3A_61 = tpu.memref_slice %arg4[%add3A_57, %dma_wait3A_60] : memref<819200x128xf32, #tpu.memory_space<hbm>> -> memref<1280x32xf32, #tpu.memory_space<hbm>>
    tpu.wait_dma2 semaphore(%arg14 : memref<!tpu.dma_semaphore, #tpu.memory_space<semaphore_mem>>) src(%arg8 : memref<1280x32xf32, #tpu.memory_space<vmem>>) dst(%dma_wait3A_61 : memref<1280x32xf32, #tpu.memory_space<hbm>>)
    return
  }
}

</mosaic_0001>

<sc_bundles>
// kernel: _embed.3.cloned.1.call-start
scs
__scs_entry_jumppad:
0x0: {  	(pc) =	sbr.rel $0x88, $3  }
0x1: {  	(tag) =	ssettag $0x0;
	lr =	simm.s32 $0x1  }
0x2: {  	[smem:$0x3F9F] =	sst lr;
	_ =	strace $0xD0000000  }
0x3: {  	_ = 	snop  }
0x4: {  	_ = 	snop  }
0x5: {  	_ = 	snop  }
0x6: {  	_ = 	snop  }
0x7: {  	_ = 	snop  }
__scs_overlays_trampoline_lowered:
0x8: {  	[smem:$0x3FAE] =	sst s0  }
0x9: {  	[smem:$0x3FAF] =	sst s1  }
0xa: {  	[smem:$0x3FB0] =	sst s2  }
0xb: {  	[smem:$0x3FB1] =	sst s3  }
0xc: {  	[smem:$0x3FB2] =	sst s4  }
0xd: {  	[smem:$0x3FB3] =	sst s5  }
0xe: {  	[smem:$0x3FB4] =	sst s6  }
0xf: {  	[smem:$0x3FB5] =	sst s7  }
0x10: {  	[smem:$0x3FB6] =	sst s8  }
0x11: {  	[smem:$0x3FB7] =	sst s9;
	s0 =	simm.s32 @!p0 $0x0  }
0x12: {  	s1 =	sld [smem:$0x3F9D];
	s0 =	simm.s32 @p0 $0x1  }
0x13: {  	[smem:$0x3FB8] =	sst s0;
	s0 =	simm.s32 @!p1 $0x0  }
0x14: {  	s2 =	sld [smem:$0x3F9C];
	s0 =	simm.s32 @p1 $0x1  }
0x15: {  	[smem:$0x3FB9] =	sst s0;
	s0 =	simm.s32 @!p2 $0x0  }
0x16: {  	s3 =	sld [smem:$0x3FDB];
	s0 =	simm.s32 @p2 $0x1  }
0x17: {  	s4 =	simm.s32 $0x1BF5;
	[smem:$0x3FBB] =	sst s0  }
0x18: {  	s0 =	sld [smem:$0x3F9E];
	_ =	swait.ge [sflag:s4], $0x0  }
0x19: {  	s7 =	sld [smem:$0x3F9F]  }
0x1a: {  	s8 =	sadd.s32 $0xFFFFE003, lr  }
0x1b: {  	s9 =	sadd.s32 $0xFFFFFEF7, lr;
	s5 =	simm.s32 $0xFFFFFFFF;
	p2 =	slt.u32 s8, $0xFFFFF086  }
0x1c: {  	p1 =	slt.u32 s9, $0xF7A;
	s5 =	simm.s32 @!p2 $0x0  }
0x1d: {  	s5 =	simm.s32 @p1 $0x1;
	p0 =	seq.s32 s7, s2  }
0x1e: {  	s7 =	smul.u32 @!p0 $0xF7A, s2;
	p2 =	seq.s32 @!p0 s5, $0x0  }
0x1f: {  	s9 =	smul.u32 $0xF7A, s1;
	s8 =	simm.s32 @!p0 $0x1BF5;
	p2 =	por !p2, p0  }
0x20: {  	[sflag:s8] =	ssyncset.s32 @!p0 $0xFFFFF086;
	s6 =	sadd.s32 @!p0 s3, s7;
	s7 =	simm.s32 @!p0 $0x108  }
0x21: {  	s3 =	sadd.s32 s3, s9;
	s6 =	sadd.s32 @!p0 $0x88, s6;
	s7 =	simm.s32 @p2 $0x1082  }
0x22: {  	[simem:s7], [sflag:s8] =	dma.local @!p0 [hbm:s6], $0xF7A  }
0x23: {  	s9 =	sor.u32 $0xD0000000, s2;
	s6 =	simm.s32 $0x108;
	_ =	swait.ge @!p0 [sflag:s8], $0x0  }
0x24: {  	s3 =	sadd.s32 $0x88, s3;
	s6 =	simm.s32 @!p1 $0x1082;
	[sflag:s4] =	ssyncset.s32 $0xFFFFF086  }
0x25: {  	[simem:s6], [sflag:s4] =	dma.local [hbm:s3], $0xF7A  }
0x26: {  	[smem:$0x3F9F] =	sst s1;
	(tag) =	ssettag s2;
	_ =	strace s9  }
0x27: {  	s1 =	sld [smem:$0x3FAF]  }
0x28: {  	s2 =	sld [smem:$0x3FB0]  }
0x29: {  	s4 =	sld [smem:$0x3FB2]  }
0x2a: {  	p0 =	seq.s32 s5, $0x0;
	s5 =	sld [smem:$0x3FB3]  }
0x2b: {  	s6 =	sld [smem:$0x3FB4]  }
0x2c: {  	s7 =	sld [smem:$0x3FB5]  }
0x2d: {  	s3 =	simm.s32 $0x108;
	s8 =	sld [smem:$0x3FB6]  }
0x2e: {  	s3 =	simm.s32 @!p0 $0x1082;
	s9 =	sld [smem:$0x3FB7]  }
0x2f: {  	lr =	sadd.s32 s0, s3;
	s0 =	sld [smem:$0x3FAE]  }
0x30: {  	s3 =	sld [smem:$0x3FB1]  }
0x31: {  	[smem:$0x3FBA] =	sst s10  }
0x32: {  	s10 =	sld [smem:$0x3FB8];
	_ =	sdelay $0x3  }
0x33: {  	p0 =	seq.s32 s10, $0x1;
	s10 =	sld [smem:$0x3FBA];
	_ =	sdelay $0x3  }
0x34: {  	[smem:$0x3FBA] =	sst s10  }
0x35: {  	s10 =	sld [smem:$0x3FB9];
	_ =	sdelay $0x3  }
0x36: {  	p1 =	seq.s32 s10, $0x1;
	s10 =	sld [smem:$0x3FBA];
	_ =	sdelay $0x3  }
0x37: {  	[smem:$0x3FBA] =	sst s10  }
0x38: {  	s10 =	sld [smem:$0x3FBB]  }
0x39: {  	_ = 	snop;
	(pc) =	sbr.ind lr, $3  }
0x3a: {  	_ = 	snop  }
0x3b: {  	_ = 	snop  }
0x3c: {  	p2 =	seq.s32 s10, $0x1;
	s10 =	sld [smem:$0x3FBA]  }
0x3d: {  	_ =	shalt  }
0x3e: {  	_ =	shalt  }
0x3f: {  	_ =	shalt  }
0x40: {  	_ =	shalt  }
0x41: {  	_ =	shalt  }
0x42: {  	_ =	shalt  }
0x43: {  	_ =	shalt  }
0x44: {  	_ =	shalt  }
0x45: {  	_ =	shalt  }
0x46: {  	_ =	shalt  }
0x47: {  	_ =	shalt  }
0x48: {  	_ =	shalt  }
0x49: {  	_ =	shalt  }
0x4a: {  	_ =	shalt  }
0x4b: {  	_ =	shalt  }
0x4c: {  	_ =	shalt  }
0x4d: {  	_ =	shalt  }
0x4e: {  	_ =	shalt  }
0x4f: {  	_ =	shalt  }
0x50: {  	_ =	shalt  }
0x51: {  	_ =	shalt  }
0x52: {  	_ =	shalt  }
0x53: {  	_ =	shalt  }
0x54: {  	_ =	shalt  }
0x55: {  	_ =	shalt  }
0x56: {  	_ =	shalt  }
0x57: {  	_ =	shalt  }
0x58: {  	_ =	shalt  }
0x59: {  	_ =	shalt  }
0x5a: {  	_ =	shalt  }
0x5b: {  	_ =	shalt  }
0x5c: {  	_ =	shalt  }
0x5d: {  	_ =	shalt  }
0x5e: {  	_ =	shalt  }
0x5f: {  	_ =	shalt  }
0x60: {  	_ =	shalt  }
0x61: {  	_ =	shalt  }
0x62: {  	_ =	shalt  }
0x63: {  	_ =	shalt  }
0x64: {  	_ =	shalt  }
0x65: {  	_ =	shalt  }
0x66: {  	_ =	shalt  }
0x67: {  	_ =	shalt  }
0x68: {  	_ =	shalt  }
0x69: {  	_ =	shalt  }
0x6a: {  	_ =	shalt  }
0x6b: {  	_ =	shalt  }
0x6c: {  	_ =	shalt  }
0x6d: {  	_ =	shalt  }
0x6e: {  	_ =	shalt  }
0x6f: {  	_ =	shalt  }
0x70: {  	_ =	shalt  }
0x71: {  	_ =	shalt  }
0x72: {  	_ =	shalt  }
0x73: {  	_ =	shalt  }
0x74: {  	_ =	shalt  }
0x75: {  	_ =	shalt  }
0x76: {  	_ =	shalt  }
0x77: {  	_ =	shalt  }
0x78: {  	_ =	shalt  }
0x79: {  	_ =	shalt  }
0x7a: {  	_ =	shalt  }
0x7b: {  	_ =	shalt  }
0x7c: {  	_ =	shalt  }
0x7d: {  	_ =	shalt  }
0x7e: {  	_ =	shalt  }
0x7f: {  	_ =	shalt  }
0x80: {  	_ =	shalt  }
0x81: {  	_ =	shalt  }
0x82: {  	_ =	shalt  }
0x83: {  	_ =	shalt  }
0x84: {  	_ =	shalt  }
0x85: {  	_ =	shalt  }
0x86: {  	_ =	shalt  }
0x87: {  	_ =	shalt  }
.Lfunc_end0:
.L_simem_size_0:
called_computation_lowered:
.L_overlay_start_0:
0x88: {  	s2 =	sld [smem:$0x3FD9]  }
0x89: {  	s3 =	sld [smem:$0x3FFE];
	_ =	sdelay $0x1  }
0x8a: {  	s1 =	srdreg.scid  }
0x8b: {  	s0 =	sand.u32 $0x1, s1  }
0x8c: {  	s17 =	sshll.u32 s0, $0xA;
	s2 =	sadd.s32 s3, s2  }
0x8d: {  	s2 =	sadd.s32 s2, s17  }
0x8e: {  	[smem:$0x3FC6] =	sst s2  }
0x8f: {  	_ = 	snop  }
0x90: {  	s2 =	sld [smem:$0x3FC8]  }
0x91: {  	s18 =	sld [smem:$0x3FD0];
	(tm) =	ssettm $0x1  }
0x92: {  	s4 =	sld [smem:$0x3FFB];
	_ =	sdelay $0x3  }
0x93: {  	_ =	strace s4  }
0x94: {  	s4 =	sld [smem:$0x3FFC];
	_ =	sdelay $0x3  }
0x95: {  	_ =	strace s4  }
0x96: {  	s4 =	sld [smem:$0x3FFD];
	_ =	sdelay $0x3  }
0x97: {  	_ =	strace s4  }
0x98: {  	_ =	strace $0x8FFFFFFF  }
0x99: {  	s19 =	sld [smem:$0x3FDB];
	_ =	sdelay $0x1  }
0x9a: {  	s5 =	simm.s32 $_scs_section_size  }
0x9b: {  	s6 =	simm.s32 $_size__tile_overlayer_lowered;
	s7 =	simm.s32 $_tile_overlayer_lowered  }
0x9c: {  	s22 =	simm.s32 $0x1BFF;
	s21 =	sshll.u32 s7, $0x1;
	s4 =	sadd.s32 s5, s19  }
0x9d: {  	s8 =	simm.s32 $0x0;
	s20 =	sshll.u32 s6, $0x1;
	s6 =	sadd.s32 s21, s4  }
0x9e: {  	[timem:s8], [sflag:s22] =	dma.local [hbm:s6], s20  }
0x9f: {  	_ =	swait.ge [sflag:s22], s20  }
0xa0: {  	s5 =	ssub.s32 $0x0, s20;
	[sflag:s22] =	ssyncset.done $0x0  }
0xa1: {  	[sflag:s22] =	ssyncadd.s32 s5;
	_ =	sdelay $0x1  }
0xa2: {  	s23 =	simm.s32 $0x1B8B  }
0xa3: {  	_ =	swait.ge [sflag:s23], $0x1  }
0xa4: {  	[sflag:s23] =	ssyncset.done $0x0  }
0xa5: {  	s25 =	simm.s32 $0x1B8E;
	s24 =	sld [smem:$0x3FFE];
	[sflag:s23] =	ssyncadd.s32 $0xFFFFFFFF  }
0xa6: {  	s26 =	simm.s32 $execute0_lowered;
	[smem:$0x3FD2] =	sst s25  }
0xa7: {  	s6 =	sshll.u32 s26, $0x1;
	_ =	strace $0x80000046;
	[dreg:$0x1] =	wrdreg $0xFFFFFFFF  }
0xa8: {  	s28 =	simm.s32 $_size_execute0_lowered;
	s4 =	sadd.s32 s4, s6;
	[dreg:$0x0] =	wrdreg $0x0  }
0xa9: {  	s6 =	sshll.u32 s28, $0x1;
	[dreg:$0x2] =	wrdreg s4  }
0xaa: {  	[dreg:$0x3] =	wrdreg s6  }
0xab: {  	[dreg:$0x4] =	wrdreg $0xC0  }
0xac: {  	_ =	task [dreg:s8], $0x5FFFF  }
0xad: {  	[dreg:$0x1] =	wrdreg $0xFFFFFFFF  }
0xae: {  	[dreg:$0x0] =	wrdreg $0x60  }
0xaf: {  	[dreg:$0x2] =	wrdreg s24  }
0xb0: {  	[dreg:$0x3] =	wrdreg s2  }
0xb1: {  	[dreg:$0x4] =	wrdreg s18  }
0xb2: {  	[dreg:$0x5] =	wrdreg $0x9  }
0xb3: {  	_ =	task.clear_ibuf [dreg:s8], $0x6FFFF;
	_ =	strace $0x90000046  }
0xb4: {  	s29 =	simm.s32 $0x9;
	_ =	strace $0x80000048  }
0xb5: {  	_ =	swait.ge [sflag:s29], $0x1  }
0xb6: {  	[sflag:s29] =	ssyncadd.s32 $0xFFFFFFFF  }
0xb7: {  	_ =	strace $0x90000048  }
0xb8: {  	_ =	sfence  }
0xb9: {  	s30 =	sld [smem:$0x0];
	_ =	sdelay $0x2  }
0xba: {  	s31 =	sshll.u32 s1, $0xD;
	s1 =	sshrl.u32 s1, $0x2  }
0xbb: {  	s3 =	sand.u32 $0x4000, s31;
	s1 =	sadd.s32 s1, s30  }
0xbc: {  	s0 =	sor.u32 s3, s0;
	s1 =	sshll.u32 s1, $0x11  }
0xbd: {  	s0 =	sor.u32 s1, s0  }
0xbe: {  	s0 =	sadd.s32 $0x8F2B, s0  }
0xbf: {  	[sflag:s0] =	ssyncadd.remote.s32 $0x1  }
0xc0: {  	_ =	sfence.sel $0xFFFF  }
0xc1: {  	[dreg:$0x0] =	wrdreg $0xFFFFFFFF;
	(pc) =	sbr.abs _section_cstart, $3  }
0xc2: {  	[dreg:$0x1] =	wrdreg $0xFFFFFFFF  }
0xc3: {  	_ =	task.clear_ibuf [dreg:s8], $0x2FFFF;
	_ =	strace $0x9FFFFFFF  }
0xc4: {  	(tm) =	ssettm $0x7FFFFFFF  }
0xc5: {  	_ =	shalt  }
tec
execute0_lowered:
.L_overlay_start_1:
0x0: {  	(tag) =	ssettag $0x1  }
0x1: {  	s0 =	rddreg [dreg:$0x0]  }
0x2: {  	s2 =	rddreg [dreg:$0x1]  }
0x3: {  	s1 =	srdreg.scid;
	s10 =	stileid.u32  }
0x4: {  	s8 =	rddreg [dreg:$0x2];
	s3 =	simm.s32 $0x0;
	s12 =	simm.s32 $0x500  }
0x5: {  	s13 =	simm.s32 $0x1;
	s14 =	simm.s32 $0x140;
	s15 =	simm.s32 $0xA00  }
0x6: {  	s21 =	simm.s32 $0x2;
	s22 =	simm.s32 $0xAA00;
	s23 =	simm.s32 $0x640  }
0x7: {  	s28 =	simm.s32 $0x8C0;
	s29 =	simm.s32 $0x12200;
	s30 =	simm.s32 $0x3  }
0x8: {  	s31 =	simm.s32 $0x20;
	s16 =	simm.s32 $0x5;
	s6 =	smul.u32 $0xC800, s10  }
0x9: {  	s1 =	sand.u32 $0x1, s1;
	s4 =	sshll.u32 s10, $0x1;
	s10 =	smul.u32 $0xC8000, s10  }
0xa: {  	s17 =	simm.s32 $0x6;
	s4 =	sor.u32 s1, s4;
	s9 =	smul.u32 $0x6400, s1  }
0xb: {  	s18 =	simm.s32 $0x0;
	[smem:$0x7FF] =	sst s3;
	s4 =	smul.u32 $0x6400, s4  }
0xc: {  	_ =	strace $0x80000047;
	s7 =	ssub.s32 $0x2, s1;
	s1 =	smul.u32 $0x64000, s1  }
0xd: {  	s24 =	sshrl.u32 s7, $0x1;
	s9 =	sadd.s32 s9, s6;
	s5 =	sshrl.u32 s4, $0x3  }
0xe: {  	s4 =	sadd.s32 $0xF42800, s0;
	s0 =	ssub.s32 s7, s24;
	s25 =	sadd.s32 $0xF00, s9  }
0xf: {  	s11 =	sshll.u32 s9, $0x4;
	s20 =	sadd.s32 $0xA00, s9;
	s24 =	simm.s32 $0xD200  }
0x10: {  	s5 =	sadd.s32 s2, s5;
	s0 =	smax.u32 s0, $0x1;
	s26 =	sadd.s32 s8, s11  }
.Ltmp0:
0x11: {  	s8 =	sadd.s32 s10, s8;
	[dreg:$0x4] =	wrdreg s5;
	(pc) =	sbr.rel .LBB2_1-.Ltmp0, $4  }
0x12: {  	s5 =	sadd.s32 $0xA0, s5;
	[dreg:$0x6] =	wrdreg s0;
	s0 =	sshrl.u32 s25, $0x3  }
0x13: {  	s10 =	sadd.s32 $0x5000, s26;
	s11 =	sadd.s32 s1, s8;
	s25 =	simm.s32 $0x780  }
0x14: {  	s26 =	simm.s32 $0xFA00;
	[dreg:$0x5] =	wrdreg s5;
	s0 =	sadd.s32 s0, s2  }
0x15: {  	s1 =	simm.s32 $0x80;
	[dreg:$0x7] =	wrdreg s0;
	s0 =	simm.s32 $0x4  }
.LBB2_4:
0x16: {  	_ =	swait.ge [sflag:s16], $0xA000  }
0x17: {  	[sflag:s16] =	ssyncset.done $0x0  }
0x18: {  	[sflag:s16] =	ssyncadd.s32 $0xFFFF6000  }
0x19: {  	_ =	swait.ge [sflag:s17], $0xA000  }
0x1a: {  	s18 =	sadd.s32 $0x1, s18;
	s5 =	rddreg [dreg:$0x6]  }
0x1b: {  	p0 =	sne.s32 s18, s5  }
.Ltmp1:
0x1c: {  	_ = 	snop;
	(pc) =	sbr.rel @!p0 .LBB2_5-.Ltmp1, $3  }
0x1d: {  	_ =	sdelay $0x1  }
0x1e: {  	[sflag:s17] =	ssyncset.done $0x0  }
0x1f: {  	[sflag:s17] =	ssyncadd.s32 $0xFFFF6000  }
.LBB2_1:
0x20: {  	s5 =	rddreg [dreg:$0x4]  }
0x21: {  	[tilespmem:s3], [sflag:$0x1] =	stream.linear.gather [hbm4b:s5+s3], $0x500, $0x38;
	[tilespmem:$0x14A00] =	vst v63  }
0x22: {  	s6 =	rddreg [dreg:$0x5]  }
0x23: {  	[tilespmem:s12], [sflag:$0x2] =	stream.linear.gather [hbm4b:s6+s3], $0x500, $0x38;
	[tilespmem:$0x14A00] =	vst v63  }
0x24: {  	_ =	swait.ge [sflag:s13], $0x500  }
0x25: {  	[sflag:s13] =	ssyncset.done $0x0  }
0x26: {  	[sflag:s13] =	ssyncadd.s32 $0xFFFFFB00  }
0x27: {  	[tilespmem:s15], [sflag:$0x3] =	stream.indirect.gather [hbm4b:s4+s14], $0x20, s3, s14, $0xb8;
	[tilespmem:$0x14A00] =	vst v63  }
0x28: {  	s7 =	simm.s32 $0x3200  }
0x29: {  	[tilespmem:s7], [sflag:$0x3] =	stream.indirect.gather [hbm4b:s4+s14], $0x20, s14, s14, $0xb8;
	[tilespmem:$0x14A00] =	vst v63  }
0x2a: {  	s8 =	simm.s32 $0x280;
	s6 =	simm.s32 $0x5A00  }
0x2b: {  	[tilespmem:s6], [sflag:$0x3] =	stream.indirect.gather [hbm4b:s4+s14], $0x20, s8, s14, $0xb8;
	[tilespmem:$0x14A00] =	vst v63  }
0x2c: {  	s9 =	simm.s32 $0x3C0;
	s19 =	simm.s32 $0x8200  }
0x2d: {  	[tilespmem:s19], [sflag:$0x3] =	stream.indirect.gather [hbm4b:s4+s14], $0x20, s9, s14, $0xb8;
	[tilespmem:$0x14A00] =	vst v63  }
0x2e: {  	s8 =	rddreg [dreg:$0x7];
	s19 =	simm.s32 $0x0;
	s9 =	smov.u32 s20  }
.LBB2_2:
0x2f: {  	_ =	swait.ge [sflag:s21], $0x500  }
0x30: {  	p0 =	seq.s32 s19, $0x0;
	[sflag:s21] =	ssyncset.done $0x0  }
0x31: {  	s7 =	simm.s32 @!p0 $0x6;
	[sflag:s21] =	ssyncadd.s32 $0xFFFFFB00  }
0x32: {  	_ =	swait.ge @!p0 [sflag:s7], $0xA000  }
0x33: {  	[sflag:s7] =	ssyncset.done @!p0 $0x0  }
0x34: {  	[sflag:s7] =	ssyncadd.s32 @!p0 $0xFFFF6000  }
0x35: {  	[tilespmem:s22], [sflag:$0x4] =	stream.indirect.gather [hbm4b:s4+s14], $0x20, s12, s14, $0xb8;
	[tilespmem:$0x14A00] =	vst v63  }
0x36: {  	_ = 	snop  }
0x37: {  	[tilespmem:s24], [sflag:$0x4] =	stream.indirect.gather [hbm4b:s4+s14], $0x20, s23, s14, $0xb8;
	[tilespmem:$0x14A00] =	vst v63  }
0x38: {  	_ = 	snop  }
0x39: {  	[tilespmem:s26], [sflag:$0x4] =	stream.indirect.gather [hbm4b:s4+s14], $0x20, s25, s14, $0xb8;
	[tilespmem:$0x14A00] =	vst v63  }
0x3a: {  	_ = 	snop  }
0x3b: {  	[tilespmem:s29], [sflag:$0x4] =	stream.indirect.gather [hbm4b:s4+s14], $0x20, s28, s14, $0xb8;
	[tilespmem:$0x14A00] =	vst v63  }
0x3c: {  	_ =	swait.ge [sflag:s30], $0x2800  }
0x3d: {  	[sflag:s30] =	ssyncset.done $0x0  }
0x3e: {  	[sflag:s30] =	ssyncadd.s32 $0xFFFFD800  }
0x3f: {  	_ =	swait.ge [sflag:s30], $0x2800  }
0x40: {  	[sflag:s30] =	ssyncset.done $0x0  }
0x41: {  	[sflag:s30] =	ssyncadd.s32 $0xFFFFD800  }
0x42: {  	_ =	swait.ge [sflag:s30], $0x2800  }
0x43: {  	[sflag:s30] =	ssyncset.done $0x0  }
0x44: {  	[sflag:s30] =	ssyncadd.s32 $0xFFFFD800  }
0x45: {  	_ =	swait.ge [sflag:s30], $0x2800  }
0x46: {  	p0 =	seq.s32 s19, $0x5A000;
	[sflag:s30] =	ssyncset.done $0x0  }
0x47: {  	s6 =	sadd.s32 s19, s11;
	s7 =	sshrl.u32 @!p0 s9, $0x3;
	[sflag:s30] =	ssyncadd.s32 $0xFFFFD800  }
0x48: {  	[hbm4b:s6+s31] =	stream.strided.scatter [tilespmem:s15], [sflag:$0x5], $0xA000, s1, s31, $0x38;
	[tilespmem:$0x14A00] =	vst v63  }
0x49: {  	s5 =	simm.s32 @!p0 $0x0;
	s7 =	sadd.s32 @!p0 s2, s7  }
0x4a: {  	[tilespmem:s5], [sflag:$0x1] =	stream.linear.gather @!p0 [hbm4b:s7+s5], $0x500, $0x38;
	[tilespmem:$0x14A00] =	vst v63  }
0x4b: {  	s7 =	simm.s32 @!p0 $0x1  }
0x4c: {  	_ =	swait.ge @!p0 [sflag:s7], $0x500  }
0x4d: {  	[sflag:s7] =	ssyncset.done @!p0 $0x0  }
0x4e: {  	[sflag:s7] =	ssyncadd.s32 @!p0 $0xFFFFFB00;
	s7 =	simm.s32 @!p0 $0x5  }
0x4f: {  	_ =	swait.ge @!p0 [sflag:s7], $0xA000  }
0x50: {  	[sflag:s7] =	ssyncset.done @!p0 $0x0  }
0x51: {  	s6 =	simm.s32 @!p0 $0xA00;
	[sflag:s7] =	ssyncadd.s32 @!p0 $0xFFFF6000;
	s7 =	simm.s32 @!p0 $0x140  }
0x52: {  	[tilespmem:s6], [sflag:$0x3] =	stream.indirect.gather @!p0 [hbm4b:s4+s7], $0x20, s5, s7, $0xb8;
	[tilespmem:$0x14A00] =	vst v63  }
0x53: {  	s5 =	simm.s32 @!p0 $0x3200  }
0x54: {  	[tilespmem:s5], [sflag:$0x3] =	stream.indirect.gather @!p0 [hbm4b:s4+s7], $0x20, s7, s7, $0xb8;
	[tilespmem:$0x14A00] =	vst v63  }
0x55: {  	s6 =	simm.s32 @!p0 $0x5A00;
	s5 =	simm.s32 @!p0 $0x280  }
0x56: {  	[tilespmem:s6], [sflag:$0x3] =	stream.indirect.gather @!p0 [hbm4b:s4+s7], $0x20, s5, s7, $0xb8;
	[tilespmem:$0x14A00] =	vst v63  }
0x57: {  	s5 =	simm.s32 @!p0 $0x3C0;
	s6 =	simm.s32 @!p0 $0x8200  }
0x58: {  	[tilespmem:s6], [sflag:$0x3] =	stream.indirect.gather @!p0 [hbm4b:s4+s7], $0x20, s5, s7, $0xb8;
	[tilespmem:$0x14A00] =	vst v63  }
0x59: {  	_ =	swait.ge [sflag:s0], $0x2800  }
0x5a: {  	[sflag:s0] =	ssyncset.done $0x0  }
0x5b: {  	[sflag:s0] =	ssyncadd.s32 $0xFFFFD800  }
0x5c: {  	_ =	swait.ge [sflag:s0], $0x2800  }
0x5d: {  	[sflag:s0] =	ssyncset.done $0x0  }
0x5e: {  	[sflag:s0] =	ssyncadd.s32 $0xFFFFD800  }
0x5f: {  	_ =	swait.ge [sflag:s0], $0x2800  }
0x60: {  	[sflag:s0] =	ssyncset.done $0x0  }
.Ltmp2:
0x61: {  	[sflag:s0] =	ssyncadd.s32 $0xFFFFD800;
	(pc) =	sbr.rel @p0 .LBB2_4-.Ltmp2, $4  }
0x62: {  	_ =	swait.ge [sflag:s0], $0x2800  }
0x63: {  	[sflag:s0] =	ssyncset.done $0x0  }
0x64: {  	s7 =	sadd.s32 s19, s10;
	[sflag:s0] =	ssyncadd.s32 $0xFFFFD800  }
0x65: {  	[hbm4b:s7+s31] =	stream.strided.scatter [tilespmem:s22], [sflag:$0x6], $0xA000, s1, s31, $0x38;
	[tilespmem:$0x14A00] =	vst v63  }
.Ltmp3:
0x66: {  	(pc) =	sbr.rel .LBB2_2-.Ltmp3, $3  }
0x67: {  	_ =	sdelay $0x1  }
0x68: {  	[tilespmem:s12], [sflag:$0x2] =	stream.linear.gather [hbm4b:s8+s3], $0x500, $0x38;
	[tilespmem:$0x14A00] =	vst v63  }
0x69: {  	s8 =	sadd.s32 $0x140, s8;
	s9 =	sadd.s32 $0xA00, s9;
	s19 =	sadd.s32 $0xA000, s19  }
.LBB2_5:
0x6a: {  	_ =	sfence.sel $0x180000  }
0x6b: {  	[bflag:$0x0] =	sbarrier.arrive $0xFFFF  }
0x6c: {  	_ =	strace $0x90000047  }
0x6d: {  	s0 =	stileid.u32;
	[bflag:$0x2] =	sbarrier.arrive $0xFFFF  }
0x6e: {  	p0 =	sne.s32 s0, $0x0;
	s0 =	rddreg [dreg:$0x3]  }
0x6f: {  	s0 =	sadd.s32 @!p0 $0x100000, s0  }
0x70: {  	[sflag:s0] =	ssyncadd.tile.s32 @!p0 $0x1;
	_ =	shalt  }
.Lfunc_end2:
_tile_overlayer_lowered:
.L_overlay_start_2:
0x71: {  	(tag) =	ssettag $0x2  }
0x72: {  	s0 =	rddreg [dreg:$0x0];
	s2 =	stileid.u32  }
0x73: {  	s1 =	rddreg [dreg:$0x1];
	p0 =	sne.s32 s2, $0x0  }
0x74: {  	s3 =	rddreg [dreg:$0x2];
	[bflag:$0x3] =	sbarrier.arrive $0xFFFF;
	s2 =	simm.s32 @!p0 $0x1C07  }
0x75: {  	[timem:s3], [sflag:s2] =	dma.local @!p0 [hbm:s0], s1  }
0x76: {  	s0 =	simm.s32 @!p0 $0x7  }
0x77: {  	_ =	swait.ge @!p0 [sflag:s0], s1  }
0x78: {  	s1 =	ssub.s32 @!p0 $0x0, s1;
	[sflag:s0] =	ssyncset.done @!p0 $0x0  }
0x79: {  	[sflag:s0] =	ssyncadd.s32 @!p0 s1  }
0x7a: {  	[bflag:$0x3] =	sbarrier.arrive $0xFFFF  }
0x7b: {  	_ =	shalt  }

</sc_bundles>
